<compile_context>
chip_gen: v7x
topology: tpu7x:2x2x1
jax: 0.10.2.dev20260603
libtpu: 0.0.44.dev20260713+nightly
codegen_flags: <defaults>
</compile_context>

<pallas_src>
import jax
import jax.numpy as jnp
from jax import lax
from jax.experimental import pallas as pl
from jax.experimental.pallas import tpu as pltpu
from jax.experimental.pallas import tpu_sc as plsc

_N_EMB = 8192
_DIM = 32
_CC = 0.5
_N_TOK = 8192
_TOK_BLK = 512

_NW = 32
_TPW = _N_TOK // _NW


_CHUNK = 2048


def _argmin_body(z_ref, e_ref, a_ref, b_ref, idx_ref):
    zb = z_ref[...].astype(jnp.bfloat16)
    a = a_ref[...]
    acc_v = jnp.full((_TOK_BLK, 1), jnp.inf, jnp.float32)
    acc_i = jnp.zeros((_TOK_BLK, 1), jnp.int32)
    for c in range(_N_EMB // _CHUNK):
        e2b_c = (2.0 * e_ref[c * _CHUNK:(c + 1) * _CHUNK, :]).astype(jnp.bfloat16)
        b_c = b_ref[:, c * _CHUNK:(c + 1) * _CHUNK]
        dot2 = lax.dot_general(zb, e2b_c, (((1,), (1,)), ((), ())),
                               preferred_element_type=jnp.float32)
        dd = (a + b_c) - dot2
        m_v = jnp.min(dd, axis=1, keepdims=True)
        cols = lax.broadcasted_iota(jnp.int32, dd.shape, 1)
        m_i = jnp.min(jnp.where(dd == m_v, cols, jnp.int32(0x7FFFFFFF)),
                      axis=1, keepdims=True) + c * _CHUNK
        keep = acc_v < m_v
        new_v = jnp.where(keep, acc_v, m_v)
        keep_i = keep | ((acc_v == m_v) & (acc_i < m_i))
        acc_i = jnp.where(keep_i, acc_i, m_i)
        acc_v = new_v.astype(jnp.bfloat16).astype(jnp.float32)
    idx_ref[...] = acc_i[:, 0]


def _argmin_call(flat, emb, a, b2d):
    return pl.pallas_call(
        _argmin_body,
        grid=(_N_TOK // _TOK_BLK,),
        in_specs=[
            pl.BlockSpec((_TOK_BLK, _DIM), lambda i: (i, 0)),
            pl.BlockSpec((_N_EMB, _DIM), lambda i: (0, 0)),
            pl.BlockSpec((_TOK_BLK, 1), lambda i: (i, 0)),
            pl.BlockSpec((1, _N_EMB), lambda i: (0, 0)),
        ],
        out_specs=pl.BlockSpec((_TOK_BLK,), lambda i: (i,)),
        out_shape=jax.ShapeDtypeStruct((_N_TOK,), jnp.int32),
    )(flat, emb, a, b2d)


def _sc_body(emb_hbm, idx_hbm, zeros_hbm, ones_hbm,
             q_hbm, cnt_hbm,
             idx_v, rows_v, ones_v, shared_cnt, sem):
    c = lax.axis_index("c")
    s = lax.axis_index("s")
    wid = s * 2 + c
    base = wid * _TPW
    pltpu.sync_copy(idx_hbm.at[pl.ds(base, _TPW)], idx_v)
    pltpu.async_copy(emb_hbm.at[idx_v], rows_v, sem).wait()
    pltpu.sync_copy(rows_v, q_hbm.at[pl.ds(base, _TPW)])
    @pl.when(s == 0)
    def _():
        pltpu.sync_copy(zeros_hbm, shared_cnt)
    pltpu.sync_copy(ones_hbm, ones_v)
    plsc.subcore_barrier()
    pltpu.sync_copy(ones_v, shared_cnt.at[idx_v], add=True)
    plsc.subcore_barrier()
    @pl.when(s == 0)
    def _():
        pltpu.sync_copy(shared_cnt, cnt_hbm.at[c])


_sc_gather_cache = []


def _sc_gather(embedding, idx, zeros, ones):
    if not _sc_gather_cache:
        _sc_gather_cache.append(pl.kernel(
            _sc_body,
            out_type=[
                jax.ShapeDtypeStruct((_N_TOK, _DIM), jnp.float32),
                jax.ShapeDtypeStruct((2, _N_EMB), jnp.float32),
            ],
            mesh=plsc.VectorSubcoreMesh(core_axis_name="c",
                                        subcore_axis_name="s"),
            scratch_types=[
                pltpu.VMEM((_TPW,), jnp.int32),
                pltpu.VMEM((_TPW, _DIM), jnp.float32),
                pltpu.VMEM((_TPW,), jnp.float32),
                pltpu.VMEM_SHARED((_N_EMB,), jnp.float32),
                pltpu.SemaphoreType.DMA,
            ],
            compiler_params=pltpu.CompilerParams(use_tc_tiling_on_sc=False),
        ))
    return _sc_gather_cache[0](embedding, idx, zeros, ones)


def _final_body(z_ref, q_ref, cnt_ref, qst_ref, loss_ref, perp_ref):
    z = z_ref[...]
    q = jnp.swapaxes(q_ref[...], 1, 2)
    qst_ref[...] = z + (q - z)
    diff = q - z
    m = jnp.mean(diff * diff)
    loss_ref[...] = jnp.reshape(m + _CC * m, (1, 1))
    counts = cnt_ref[0, :] + cnt_ref[1, :]
    avg = counts * (1.0 / _N_TOK)
    perp_ref[...] = jnp.reshape(jnp.exp(-jnp.sum(avg * jnp.log(avg + 1e-10))),
                                (1, 1))


def _final_call(inputs3, q3, counts2):
    return pl.pallas_call(
        _final_body,
        grid=(1,),
        in_specs=[
            pl.BlockSpec((8, _DIM, 1024), lambda i: (0, 0, 0)),
            pl.BlockSpec((8, 1024, _DIM), lambda i: (0, 0, 0)),
            pl.BlockSpec((2, _N_EMB), lambda i: (0, 0)),
        ],
        out_specs=[
            pl.BlockSpec((8, _DIM, 1024), lambda i: (0, 0, 0)),
            pl.BlockSpec((1, 1), lambda i: (0, 0)),
            pl.BlockSpec((1, 1), lambda i: (0, 0)),
        ],
        out_shape=[
            jax.ShapeDtypeStruct((8, _DIM, 1024), jnp.float32),
            jax.ShapeDtypeStruct((1, 1), jnp.float32),
            jax.ShapeDtypeStruct((1, 1), jnp.float32),
        ],
    )(inputs3, q3, counts2)


def kernel(inputs, embedding):
    input_shape = inputs.shape
    flat = jnp.reshape(inputs, (-1, _DIM))
    a = jnp.sum(flat ** 2, axis=1, keepdims=True)
    b2d = jnp.sum(embedding ** 2, axis=1)[None, :]
    zeros = jnp.zeros((_N_EMB,), jnp.float32)
    ones = jnp.ones((_TPW,), jnp.float32)
    idx = _argmin_call(flat, embedding, a, b2d)
    quantized, counts2 = _sc_gather(embedding, idx, zeros, ones)
    z_t = jnp.transpose(inputs, (0, 2, 1))
    qst_t, loss11, perp11 = _final_call(
        z_t, jnp.reshape(quantized, (8, 1024, _DIM)), counts2)
    return (jnp.transpose(qst_t, (0, 2, 1)),
            jnp.reshape(loss11, ()),
            jnp.reshape(perp11, ()))

# --- scband reference (transcript-rebuilt; emitter-appended) ---
"""Pipeline reference for scband-vector-quantizer-13915694039863 (READ-ONLY COPY).

The authoritative reference and input builder live on the scoring server;
editing this copy changes nothing except your own understanding.
"""

import jax, jax.numpy as jnp
import numpy as np

NUM_EMBEDDINGS = 8192
EMBEDDING_DIM = 32
COMMITMENT_COST = 0.5


def setup_inputs(seed: int = 0) -> dict:
    key = jax.random.key(seed)
    k1, k2 = jax.random.split(key)
    inputs = jax.random.normal(k1, (8, 1024, EMBEDDING_DIM), dtype=jnp.float32)
    # flax nn.initializers.uniform() samples from U[0, 0.01) by default
    embedding = jax.random.uniform(k2, (NUM_EMBEDDINGS, EMBEDDING_DIM), dtype=jnp.float32, minval=0.0, maxval=0.01)
    return {"inputs": inputs, "embedding": embedding}


def reference(inputs, embedding):
    input_shape = inputs.shape
    flat_inputs = jnp.reshape(inputs, (-1, EMBEDDING_DIM))
    # squared euclidean distance
    a_norm = jnp.sum(flat_inputs ** 2, axis=1, keepdims=True)
    b_norm = jnp.sum(embedding ** 2, axis=1)
    distances = jnp.maximum(a_norm + b_norm - 2 * jnp.dot(flat_inputs, embedding.T), 0)
    encoding_indices = jnp.argmin(distances, axis=1)
    encodings = jax.nn.one_hot(encoding_indices, NUM_EMBEDDINGS, dtype=flat_inputs.dtype)
    quantized = jnp.dot(encodings, embedding)
    quantized = jnp.reshape(quantized, input_shape)
    loss = jnp.mean((jax.lax.stop_gradient(quantized) - inputs) ** 2) + COMMITMENT_COST * jnp.mean((quantized - jax.lax.stop_gradient(inputs)) ** 2)
    quantized_st = inputs + jax.lax.stop_gradient(quantized - inputs)
    avg_probs = jnp.mean(encodings, axis=0)
    perplexity = jnp.exp(-jnp.sum(avg_probs * jnp.log(avg_probs + 1e-10)))
    return (quantized_st, loss, perplexity)

if __name__ == "__main__":
    import jax
    _d = setup_inputs()
    print(jax.jit(kernel)(*tuple(_d.values())))

</pallas_src>

<mosaic_0001>
#map = affine_map<(d0, d1) -> (0, 0)>
#map1 = affine_map<(d0, d1) -> (0)>
module attributes {stable_mosaic.version = 14 : i64} {
  func.func @_sc_body(%arg0: i32, %arg1: i32, %arg2: memref<8192x32xf32, #tpu.memory_space<hbm>>, %arg3: memref<8192xi32, #tpu.memory_space<hbm>>, %arg4: memref<8192xf32, #tpu.memory_space<hbm>>, %arg5: memref<256xf32, #tpu.memory_space<hbm>>, %arg6: memref<8192x32xf32, #tpu.memory_space<hbm>>, %arg7: memref<2x8192xf32, #tpu.memory_space<hbm>>, %arg8: memref<256xi32, #tpu.memory_space<vmem>>, %arg9: memref<256x32xf32, #tpu.memory_space<vmem>>, %arg10: memref<256xf32, #tpu.memory_space<vmem>>, %arg11: memref<8192xf32, #tpu.memory_space<vmem_shared>>, %arg12: memref<!tpu.dma_semaphore, #tpu.memory_space<semaphore_mem>>) attributes {dimension_semantics = [#tpu.dimension_semantics<core_parallel>, #tpu.dimension_semantics<subcore_parallel>], iteration_bounds = array<i64: 2, 16>, scalar_prefetch = 0 : i64, scratch_operands = 5 : i64, tpu.core_type = #tpu.core_type<sc_vector_subcore>, window_params = [{transform_indices = #map}, {transform_indices = #map1}, {transform_indices = #map1}, {transform_indices = #map1}, {transform_indices = #map}, {transform_indices = #map}]} {
    %mul3A = arith.constant 2 : i32
    %mul3A_0 = arith.muli %arg1, %mul3A : i32
    %add3A = arith.addi %mul3A_0, %arg0 : i32
    %mul3A_1 = arith.constant 256 : i32
    %mul3A_2 = arith.muli %add3A, %mul3A_1 : i32
    "tpu.region"() ({
      %run_scoped3A = tpu.sem_alloc : memref<!tpu.dma_semaphore, #tpu.memory_space<semaphore_mem>>
      %dma_start3A_15 = tpu.memref_slice %arg3[%mul3A_2] : memref<8192xi32, #tpu.memory_space<hbm>> -> memref<256xi32, #tpu.memory_space<hbm>>
      %dma_start3A_16 = tpu.memref_slice %arg3[%mul3A_2] : memref<8192xi32, #tpu.memory_space<hbm>> -> memref<256xi32, #tpu.memory_space<hbm>>
      tpu.enqueue_dma source(%dma_start3A_16 : memref<256xi32, #tpu.memory_space<hbm>>) target(%arg8 : memref<256xi32, #tpu.memory_space<vmem>>) target_semaphore(%run_scoped3A : memref<!tpu.dma_semaphore, #tpu.memory_space<semaphore_mem>>)
      %dma_wait3A_17 = tpu.memref_slice %arg3[%mul3A_2] : memref<8192xi32, #tpu.memory_space<hbm>> -> memref<256xi32, #tpu.memory_space<hbm>>
      %dma_wait3A_18 = tpu.memref_slice %arg3[%mul3A_2] : memref<8192xi32, #tpu.memory_space<hbm>> -> memref<256xi32, #tpu.memory_space<hbm>>
      tpu.wait_dma2 semaphore(%run_scoped3A : memref<!tpu.dma_semaphore, #tpu.memory_space<semaphore_mem>>) src(%dma_wait3A_18 : memref<256xi32, #tpu.memory_space<hbm>>) dst(%arg8 : memref<256xi32, #tpu.memory_space<vmem>>)
      tpu.yield
    }) : () -> ()
    %dma_start3A = arith.constant 0 : i32
    %dma_start3A_3 = arith.constant 0 : i32
    %dma_start3A_4 = tpu.memref_slice %arg2[%dma_start3A, %dma_start3A_3] : memref<8192x32xf32, #tpu.memory_space<hbm>> -> memref<8192x32xf32, #tpu.memory_space<hbm>>
    tpu.enqueue_indirect_dma source(%dma_start3A_4 : memref<8192x32xf32, #tpu.memory_space<hbm>>) target(%arg9 : memref<256x32xf32, #tpu.memory_space<vmem>>) offsets(%arg8 : memref<256xi32, #tpu.memory_space<vmem>>) semaphore(%arg12 : memref<!tpu.dma_semaphore, #tpu.memory_space<semaphore_mem>>)
    %dma_wait3A = arith.constant 0 : i32
    %dma_wait3A_5 = arith.constant 0 : i32
    %dma_wait3A_6 = tpu.memref_slice %arg2[%dma_wait3A, %dma_wait3A_5] : memref<8192x32xf32, #tpu.memory_space<hbm>> -> memref<8192x32xf32, #tpu.memory_space<hbm>>
    tpu.wait_indirect_dma semaphore(%arg12 : memref<!tpu.dma_semaphore, #tpu.memory_space<semaphore_mem>>) src(%dma_wait3A_6 : memref<8192x32xf32, #tpu.memory_space<hbm>>) dst(%arg9 : memref<256x32xf32, #tpu.memory_space<vmem>>)
    "tpu.region"() ({
      %run_scoped3A = tpu.sem_alloc : memref<!tpu.dma_semaphore, #tpu.memory_space<semaphore_mem>>
      %dma_start3A_15 = arith.constant 0 : i32
      %dma_start3A_16 = tpu.memref_slice %arg6[%mul3A_2, %dma_start3A_15] : memref<8192x32xf32, #tpu.memory_space<hbm>> -> memref<256x32xf32, #tpu.memory_space<hbm>>
      %dma_start3A_17 = arith.constant 0 : i32
      %dma_start3A_18 = tpu.memref_slice %arg6[%mul3A_2, %dma_start3A_17] : memref<8192x32xf32, #tpu.memory_space<hbm>> -> memref<256x32xf32, #tpu.memory_space<hbm>>
      tpu.enqueue_dma source(%arg9 : memref<256x32xf32, #tpu.memory_space<vmem>>) target(%dma_start3A_18 : memref<256x32xf32, #tpu.memory_space<hbm>>) target_semaphore(%run_scoped3A : memref<!tpu.dma_semaphore, #tpu.memory_space<semaphore_mem>>)
      %dma_wait3A_19 = arith.constant 0 : i32
      %dma_wait3A_20 = tpu.memref_slice %arg6[%mul3A_2, %dma_wait3A_19] : memref<8192x32xf32, #tpu.memory_space<hbm>> -> memref<256x32xf32, #tpu.memory_space<hbm>>
      %dma_wait3A_21 = arith.constant 0 : i32
      %dma_wait3A_22 = tpu.memref_slice %arg6[%mul3A_2, %dma_wait3A_21] : memref<8192x32xf32, #tpu.memory_space<hbm>> -> memref<256x32xf32, #tpu.memory_space<hbm>>
      tpu.wait_dma2 semaphore(%run_scoped3A : memref<!tpu.dma_semaphore, #tpu.memory_space<semaphore_mem>>) src(%arg9 : memref<256x32xf32, #tpu.memory_space<vmem>>) dst(%dma_wait3A_22 : memref<256x32xf32, #tpu.memory_space<hbm>>)
      tpu.yield
    }) : () -> ()
    %eq3A = arith.constant 0 : i32
    %eq3A_7 = arith.cmpi eq, %arg1, %eq3A : i32
    %convert_element_type3A = arith.extui %eq3A_7 : i1 to i32
    %cond3A = arith.constant 0 : i32
    %cond3A_8 = arith.cmpi ne, %convert_element_type3A, %cond3A : i32
    scf.if %cond3A_8 {
      "tpu.region"() ({
        %run_scoped3A = tpu.sem_alloc : memref<!tpu.dma_semaphore, #tpu.memory_space<semaphore_mem>>
        tpu.enqueue_dma source(%arg4 : memref<8192xf32, #tpu.memory_space<hbm>>) target(%arg11 : memref<8192xf32, #tpu.memory_space<vmem_shared>>) target_semaphore(%run_scoped3A : memref<!tpu.dma_semaphore, #tpu.memory_space<semaphore_mem>>)
        tpu.wait_dma2 semaphore(%run_scoped3A : memref<!tpu.dma_semaphore, #tpu.memory_space<semaphore_mem>>) src(%arg4 : memref<8192xf32, #tpu.memory_space<hbm>>) dst(%arg11 : memref<8192xf32, #tpu.memory_space<vmem_shared>>)
        tpu.yield
      }) : () -> ()
    } else {
    }
    "tpu.region"() ({
      %run_scoped3A = tpu.sem_alloc : memref<!tpu.dma_semaphore, #tpu.memory_space<semaphore_mem>>
      tpu.enqueue_dma source(%arg5 : memref<256xf32, #tpu.memory_space<hbm>>) target(%arg10 : memref<256xf32, #tpu.memory_space<vmem>>) target_semaphore(%run_scoped3A : memref<!tpu.dma_semaphore, #tpu.memory_space<semaphore_mem>>)
      tpu.wait_dma2 semaphore(%run_scoped3A : memref<!tpu.dma_semaphore, #tpu.memory_space<semaphore_mem>>) src(%arg5 : memref<256xf32, #tpu.memory_space<hbm>>) dst(%arg10 : memref<256xf32, #tpu.memory_space<vmem>>)
      tpu.yield
    }) : () -> ()
    %barrier3A = arith.constant 0 : index
    tpu.barrier barrier_id(%barrier3A)
    "tpu.region"() ({
      %run_scoped3A = tpu.sem_alloc : memref<!tpu.dma_semaphore, #tpu.memory_space<semaphore_mem>>
      %dma_start3A_15 = arith.constant 0 : i32
      %dma_start3A_16 = tpu.memref_slice %arg11[%dma_start3A_15] : memref<8192xf32, #tpu.memory_space<vmem_shared>> -> memref<8192xf32, #tpu.memory_space<vmem_shared>>
      tpu.enqueue_indirect_dma source(%arg10 : memref<256xf32, #tpu.memory_space<vmem>>) target(%dma_start3A_16 : memref<8192xf32, #tpu.memory_space<vmem_shared>>) offsets(%arg8 : memref<256xi32, #tpu.memory_space<vmem>>) semaphore(%run_scoped3A : memref<!tpu.dma_semaphore, #tpu.memory_space<semaphore_mem>>) {add = true}
      %dma_wait3A_17 = arith.constant 0 : i32
      %dma_wait3A_18 = tpu.memref_slice %arg11[%dma_wait3A_17] : memref<8192xf32, #tpu.memory_space<vmem_shared>> -> memref<8192xf32, #tpu.memory_space<vmem_shared>>
      tpu.wait_indirect_dma semaphore(%run_scoped3A : memref<!tpu.dma_semaphore, #tpu.memory_space<semaphore_mem>>) src(%arg10 : memref<256xf32, #tpu.memory_space<vmem>>) dst(%dma_wait3A_18 : memref<8192xf32, #tpu.memory_space<vmem_shared>>)
      tpu.yield
    }) : () -> ()
    %barrier3A_9 = arith.constant 0 : index
    tpu.barrier barrier_id(%barrier3A_9)
    %eq3A_10 = arith.constant 0 : i32
    %eq3A_11 = arith.cmpi eq, %arg1, %eq3A_10 : i32
    %convert_element_type3A_12 = arith.extui %eq3A_11 : i1 to i32
    %cond3A_13 = arith.constant 0 : i32
    %cond3A_14 = arith.cmpi ne, %convert_element_type3A_12, %cond3A_13 : i32
    scf.if %cond3A_14 {
      "tpu.region"() ({
        %run_scoped3A = tpu.sem_alloc : memref<!tpu.dma_semaphore, #tpu.memory_space<semaphore_mem>>
        %dma_start3A_15 = arith.constant 0 : i32
        %dma_start3A_16 = tpu.memref_slice %arg7[%arg0, %dma_start3A_15] : memref<2x8192xf32, #tpu.memory_space<hbm>> -> memref<1x8192xf32, #tpu.memory_space<hbm>>
        %dma_start3A_17 = tpu.memref_squeeze %dma_start3A_16 : memref<1x8192xf32, #tpu.memory_space<hbm>> -> memref<8192xf32, #tpu.memory_space<hbm>>
        tpu.enqueue_dma source(%arg11 : memref<8192xf32, #tpu.memory_space<vmem_shared>>) target(%dma_start3A_17 : memref<8192xf32, #tpu.memory_space<hbm>>) target_semaphore(%run_scoped3A : memref<!tpu.dma_semaphore, #tpu.memory_space<semaphore_mem>>)
        %dma_wait3A_18 = arith.constant 0 : i32
        %dma_wait3A_19 = tpu.memref_slice %arg7[%arg0, %dma_wait3A_18] : memref<2x8192xf32, #tpu.memory_space<hbm>> -> memref<1x8192xf32, #tpu.memory_space<hbm>>
        %dma_wait3A_20 = tpu.memref_squeeze %dma_wait3A_19 : memref<1x8192xf32, #tpu.memory_space<hbm>> -> memref<8192xf32, #tpu.memory_space<hbm>>
        tpu.wait_dma2 semaphore(%run_scoped3A : memref<!tpu.dma_semaphore, #tpu.memory_space<semaphore_mem>>) src(%arg11 : memref<8192xf32, #tpu.memory_space<vmem_shared>>) dst(%dma_wait3A_20 : memref<8192xf32, #tpu.memory_space<hbm>>)
        tpu.yield
      }) : () -> ()
    } else {
    }
    return
  }
}

module attributes {stable_mosaic.version = 14 : i64} {
  func.func @_argmin_body(%arg0: i32, %arg1: memref<512x32xf32, #tpu.memory_space<vmem>>, %arg2: memref<8192x32xf32, #tpu.memory_space<vmem>>, %arg3: memref<512x1xf32, #tpu.memory_space<vmem>>, %arg4: memref<1x8192xf32, #tpu.memory_space<vmem>>, %arg5: memref<512xi32, #tpu.memory_space<vmem>>) attributes {dimension_semantics = [#tpu.dimension_semantics<arbitrary>], iteration_bounds = array<i64: 16>, scalar_prefetch = 0 : i64, scratch_operands = 0 : i64, tpu.core_type = #tpu.core_type<tc>, window_params = [{transform_indices = @transform_0, window_bounds = array<i64: 512, 32>}, {pipeline_mode = #tpu.pipeline_mode<synchronous>, transform_indices = @transform_1, window_bounds = array<i64: 8192, 32>}, {transform_indices = @transform_2, window_bounds = array<i64: 512, 1>}, {pipeline_mode = #tpu.pipeline_mode<synchronous>, transform_indices = @transform_3, window_bounds = array<i64: 1, 8192>}, {transform_indices = @transform_4, window_bounds = array<i64: 512>}]} {
    %get3A = arith.constant 0 : index
    %get3A_0 = arith.constant 0 : index
    %get3A_1 = vector.load %arg1[%get3A, %get3A_0] : memref<512x32xf32, #tpu.memory_space<vmem>>, vector<512x32xf32>
    %convert_element_type3A = arith.truncf %get3A_1 : vector<512x32xf32> to vector<512x32xbf16>
    %get3A_2 = arith.constant 0 : index
    %get3A_3 = arith.constant 0 : index
    %get3A_4 = vector.load %arg3[%get3A_2, %get3A_3] : memref<512x1xf32, #tpu.memory_space<vmem>>, vector<512x1xf32>
    %broadcast_in_dim3A = arith.constant 0x7F800000 : f32
    %broadcast_in_dim3A_5 = vector.broadcast %broadcast_in_dim3A : f32 to vector<512x1xf32>
    %broadcast_in_dim3A_6 = arith.constant 0 : i32
    %broadcast_in_dim3A_7 = vector.broadcast %broadcast_in_dim3A_6 : i32 to vector<512x1xi32>
    %get3A_8 = arith.constant 0 : index
    %get3A_9 = arith.constant 0 : index
    %get3A_10 = vector.load %arg2[%get3A_8, %get3A_9] : memref<8192x32xf32, #tpu.memory_space<vmem>>, vector<2048x32xf32>
    %mul3A = arith.constant 2.000000e+00 : f32
    %mul3A_11 = vector.broadcast %mul3A : f32 to vector<2048x32xf32>
    %mul3A_12 = arith.mulf %mul3A_11, %get3A_10 : vector<2048x32xf32>
    %convert_element_type3A_13 = arith.truncf %mul3A_12 : vector<2048x32xf32> to vector<2048x32xbf16>
    %get3A_14 = arith.constant 0 : index
    %get3A_15 = arith.constant 0 : index
    %get3A_16 = vector.load %arg4[%get3A_14, %get3A_15] : memref<1x8192xf32, #tpu.memory_space<vmem>>, vector<1x2048xf32>
    %dot_general3A = arith.constant dense<0.000000e+00> : vector<512x2048xf32>
    %dot_general3A_17 = tpu.matmul %convert_element_type3A, %convert_element_type3A_13, %dot_general3A {dimension_numbers = #tpu.dot_dimension_numbers<[1], [1], [0], [0], [0, 0, 1, 0], [], []>, transpose_lhs_hint = false} : vector<512x32xbf16>, vector<2048x32xbf16>, vector<512x2048xf32> -> vector<512x2048xf32>
    %add3A = vector.broadcast %get3A_4 : vector<512x1xf32> to vector<512x2048xf32>
    %add3A_18 = vector.broadcast %get3A_16 : vector<1x2048xf32> to vector<512x2048xf32>
    %add3A_19 = arith.addf %add3A, %add3A_18 : vector<512x2048xf32>
    %sub3A = arith.subf %add3A_19, %dot_general3A_17 : vector<512x2048xf32>
    %reduce_min3A = arith.constant dense<0x7F800000> : vector<512xf32>
    %reduce_min3A_20 = vector.multi_reduction <minimumf>, %sub3A, %reduce_min3A [1] : vector<512x2048xf32> to vector<512xf32>
    %broadcast_in_dim3A_21 = vector.shape_cast %reduce_min3A_20 : vector<512xf32> to vector<512x1xf32>
    %iota3A = tpu.iota {dimensions = array<i32: 1>} : vector<512x2048xi32>
    %eq3A = vector.broadcast %broadcast_in_dim3A_21 : vector<512x1xf32> to vector<512x2048xf32>
    %eq3A_22 = arith.cmpf oeq, %sub3A, %eq3A : vector<512x2048xf32>
    %jit3A = arith.constant 2147483647 : i32
    %broadcast_in_dim3A_23 = vector.broadcast %jit3A : i32 to vector<512x2048xi32>
    %select_n3A = arith.select %eq3A_22, %iota3A, %broadcast_in_dim3A_23 : vector<512x2048xi1>, vector<512x2048xi32>
    %reduce_min3A_24 = arith.constant dense<2147483647> : vector<512xi32>
    %reduce_min3A_25 = vector.multi_reduction <minsi>, %select_n3A, %reduce_min3A_24 [1] : vector<512x2048xi32> to vector<512xi32>
    %broadcast_in_dim3A_26 = vector.shape_cast %reduce_min3A_25 : vector<512xi32> to vector<512x1xi32>
    %add3A_27 = arith.constant 0 : i32
    %add3A_28 = vector.broadcast %add3A_27 : i32 to vector<512x1xi32>
    %add3A_29 = arith.addi %broadcast_in_dim3A_26, %add3A_28 : vector<512x1xi32>
    %lt3A = arith.cmpf olt, %broadcast_in_dim3A_5, %broadcast_in_dim3A_21 : vector<512x1xf32>
    %select_n3A_30 = arith.select %lt3A, %broadcast_in_dim3A_5, %broadcast_in_dim3A_21 : vector<512x1xi1>, vector<512x1xf32>
    %eq3A_31 = arith.cmpf oeq, %broadcast_in_dim3A_5, %broadcast_in_dim3A_21 : vector<512x1xf32>
    %lt3A_32 = arith.cmpi slt, %broadcast_in_dim3A_7, %add3A_29 : vector<512x1xi32>
    %and3A = arith.andi %eq3A_31, %lt3A_32 : vector<512x1xi1>
    %or3A = arith.ori %lt3A, %and3A : vector<512x1xi1>
    %select_n3A_33 = arith.select %or3A, %broadcast_in_dim3A_7, %add3A_29 : vector<512x1xi1>, vector<512x1xi32>
    %convert_element_type3A_34 = arith.truncf %select_n3A_30 : vector<512x1xf32> to vector<512x1xbf16>
    %convert_element_type3A_35 = arith.extf %convert_element_type3A_34 : vector<512x1xbf16> to vector<512x1xf32>
    %get3A_36 = arith.constant 2048 : index
    %get3A_37 = arith.constant 0 : index
    %get3A_38 = vector.load %arg2[%get3A_36, %get3A_37] : memref<8192x32xf32, #tpu.memory_space<vmem>>, vector<2048x32xf32>
    %mul3A_39 = arith.constant 2.000000e+00 : f32
    %mul3A_40 = vector.broadcast %mul3A_39 : f32 to vector<2048x32xf32>
    %mul3A_41 = arith.mulf %mul3A_40, %get3A_38 : vector<2048x32xf32>
    %convert_element_type3A_42 = arith.truncf %mul3A_41 : vector<2048x32xf32> to vector<2048x32xbf16>
    %get3A_43 = arith.constant 0 : index
    %get3A_44 = arith.constant 2048 : index
    %get3A_45 = vector.load %arg4[%get3A_43, %get3A_44] : memref<1x8192xf32, #tpu.memory_space<vmem>>, vector<1x2048xf32>
    %dot_general3A_46 = arith.constant dense<0.000000e+00> : vector<512x2048xf32>
    %dot_general3A_47 = tpu.matmul %convert_element_type3A, %convert_element_type3A_42, %dot_general3A_46 {dimension_numbers = #tpu.dot_dimension_numbers<[1], [1], [0], [0], [0, 0, 1, 0], [], []>, transpose_lhs_hint = false} : vector<512x32xbf16>, vector<2048x32xbf16>, vector<512x2048xf32> -> vector<512x2048xf32>
    %add3A_48 = vector.broadcast %get3A_4 : vector<512x1xf32> to vector<512x2048xf32>
    %add3A_49 = vector.broadcast %get3A_45 : vector<1x2048xf32> to vector<512x2048xf32>
    %add3A_50 = arith.addf %add3A_48, %add3A_49 : vector<512x2048xf32>
    %sub3A_51 = arith.subf %add3A_50, %dot_general3A_47 : vector<512x2048xf32>
    %reduce_min3A_52 = arith.constant dense<0x7F800000> : vector<512xf32>
    %reduce_min3A_53 = vector.multi_reduction <minimumf>, %sub3A_51, %reduce_min3A_52 [1] : vector<512x2048xf32> to vector<512xf32>
    %broadcast_in_dim3A_54 = vector.shape_cast %reduce_min3A_53 : vector<512xf32> to vector<512x1xf32>
    %iota3A_55 = tpu.iota {dimensions = array<i32: 1>} : vector<512x2048xi32>
    %eq3A_56 = vector.broadcast %broadcast_in_dim3A_54 : vector<512x1xf32> to vector<512x2048xf32>
    %eq3A_57 = arith.cmpf oeq, %sub3A_51, %eq3A_56 : vector<512x2048xf32>
    %jit3A_58 = arith.constant 2147483647 : i32
    %broadcast_in_dim3A_59 = vector.broadcast %jit3A_58 : i32 to vector<512x2048xi32>
    %select_n3A_60 = arith.select %eq3A_57, %iota3A_55, %broadcast_in_dim3A_59 : vector<512x2048xi1>, vector<512x2048xi32>
    %reduce_min3A_61 = arith.constant dense<2147483647> : vector<512xi32>
    %reduce_min3A_62 = vector.multi_reduction <minsi>, %select_n3A_60, %reduce_min3A_61 [1] : vector<512x2048xi32> to vector<512xi32>
    %broadcast_in_dim3A_63 = vector.shape_cast %reduce_min3A_62 : vector<512xi32> to vector<512x1xi32>
    %add3A_64 = arith.constant 2048 : i32
    %add3A_65 = vector.broadcast %add3A_64 : i32 to vector<512x1xi32>
    %add3A_66 = arith.addi %broadcast_in_dim3A_63, %add3A_65 : vector<512x1xi32>
    %lt3A_67 = arith.cmpf olt, %convert_element_type3A_35, %broadcast_in_dim3A_54 : vector<512x1xf32>
    %select_n3A_68 = arith.select %lt3A_67, %convert_element_type3A_35, %broadcast_in_dim3A_54 : vector<512x1xi1>, vector<512x1xf32>
    %eq3A_69 = arith.cmpf oeq, %convert_element_type3A_35, %broadcast_in_dim3A_54 : vector<512x1xf32>
    %lt3A_70 = arith.cmpi slt, %select_n3A_33, %add3A_66 : vector<512x1xi32>
    %and3A_71 = arith.andi %eq3A_69, %lt3A_70 : vector<512x1xi1>
    %or3A_72 = arith.ori %lt3A_67, %and3A_71 : vector<512x1xi1>
    %select_n3A_73 = arith.select %or3A_72, %select_n3A_33, %add3A_66 : vector<512x1xi1>, vector<512x1xi32>
    %convert_element_type3A_74 = arith.truncf %select_n3A_68 : vector<512x1xf32> to vector<512x1xbf16>
    %convert_element_type3A_75 = arith.extf %convert_element_type3A_74 : vector<512x1xbf16> to vector<512x1xf32>
    %get3A_76 = arith.constant 4096 : index
    %get3A_77 = arith.constant 0 : index
    %get3A_78 = vector.load %arg2[%get3A_76, %get3A_77] : memref<8192x32xf32, #tpu.memory_space<vmem>>, vector<2048x32xf32>
    %mul3A_79 = arith.constant 2.000000e+00 : f32
    %mul3A_80 = vector.broadcast %mul3A_79 : f32 to vector<2048x32xf32>
    %mul3A_81 = arith.mulf %mul3A_80, %get3A_78 : vector<2048x32xf32>
    %convert_element_type3A_82 = arith.truncf %mul3A_81 : vector<2048x32xf32> to vector<2048x32xbf16>
    %get3A_83 = arith.constant 0 : index
    %get3A_84 = arith.constant 4096 : index
    %get3A_85 = vector.load %arg4[%get3A_83, %get3A_84] : memref<1x8192xf32, #tpu.memory_space<vmem>>, vector<1x2048xf32>
    %dot_general3A_86 = arith.constant dense<0.000000e+00> : vector<512x2048xf32>
    %dot_general3A_87 = tpu.matmul %convert_element_type3A, %convert_element_type3A_82, %dot_general3A_86 {dimension_numbers = #tpu.dot_dimension_numbers<[1], [1], [0], [0], [0, 0, 1, 0], [], []>, transpose_lhs_hint = false} : vector<512x32xbf16>, vector<2048x32xbf16>, vector<512x2048xf32> -> vector<512x2048xf32>
    %add3A_88 = vector.broadcast %get3A_4 : vector<512x1xf32> to vector<512x2048xf32>
    %add3A_89 = vector.broadcast %get3A_85 : vector<1x2048xf32> to vector<512x2048xf32>
    %add3A_90 = arith.addf %add3A_88, %add3A_89 : vector<512x2048xf32>
    %sub3A_91 = arith.subf %add3A_90, %dot_general3A_87 : vector<512x2048xf32>
    %reduce_min3A_92 = arith.constant dense<0x7F800000> : vector<512xf32>
    %reduce_min3A_93 = vector.multi_reduction <minimumf>, %sub3A_91, %reduce_min3A_92 [1] : vector<512x2048xf32> to vector<512xf32>
    %broadcast_in_dim3A_94 = vector.shape_cast %reduce_min3A_93 : vector<512xf32> to vector<512x1xf32>
    %iota3A_95 = tpu.iota {dimensions = array<i32: 1>} : vector<512x2048xi32>
    %eq3A_96 = vector.broadcast %broadcast_in_dim3A_94 : vector<512x1xf32> to vector<512x2048xf32>
    %eq3A_97 = arith.cmpf oeq, %sub3A_91, %eq3A_96 : vector<512x2048xf32>
    %jit3A_98 = arith.constant 2147483647 : i32
    %broadcast_in_dim3A_99 = vector.broadcast %jit3A_98 : i32 to vector<512x2048xi32>
    %select_n3A_100 = arith.select %eq3A_97, %iota3A_95, %broadcast_in_dim3A_99 : vector<512x2048xi1>, vector<512x2048xi32>
    %reduce_min3A_101 = arith.constant dense<2147483647> : vector<512xi32>
    %reduce_min3A_102 = vector.multi_reduction <minsi>, %select_n3A_100, %reduce_min3A_101 [1] : vector<512x2048xi32> to vector<512xi32>
    %broadcast_in_dim3A_103 = vector.shape_cast %reduce_min3A_102 : vector<512xi32> to vector<512x1xi32>
    %add3A_104 = arith.constant 4096 : i32
    %add3A_105 = vector.broadcast %add3A_104 : i32 to vector<512x1xi32>
    %add3A_106 = arith.addi %broadcast_in_dim3A_103, %add3A_105 : vector<512x1xi32>
    %lt3A_107 = arith.cmpf olt, %convert_element_type3A_75, %broadcast_in_dim3A_94 : vector<512x1xf32>
    %select_n3A_108 = arith.select %lt3A_107, %convert_element_type3A_75, %broadcast_in_dim3A_94 : vector<512x1xi1>, vector<512x1xf32>
    %eq3A_109 = arith.cmpf oeq, %convert_element_type3A_75, %broadcast_in_dim3A_94 : vector<512x1xf32>
    %lt3A_110 = arith.cmpi slt, %select_n3A_73, %add3A_106 : vector<512x1xi32>
    %and3A_111 = arith.andi %eq3A_109, %lt3A_110 : vector<512x1xi1>
    %or3A_112 = arith.ori %lt3A_107, %and3A_111 : vector<512x1xi1>
    %select_n3A_113 = arith.select %or3A_112, %select_n3A_73, %add3A_106 : vector<512x1xi1>, vector<512x1xi32>
    %convert_element_type3A_114 = arith.truncf %select_n3A_108 : vector<512x1xf32> to vector<512x1xbf16>
    %convert_element_type3A_115 = arith.extf %convert_element_type3A_114 : vector<512x1xbf16> to vector<512x1xf32>
    %get3A_116 = arith.constant 6144 : index
    %get3A_117 = arith.constant 0 : index
    %get3A_118 = vector.load %arg2[%get3A_116, %get3A_117] : memref<8192x32xf32, #tpu.memory_space<vmem>>, vector<2048x32xf32>
    %mul3A_119 = arith.constant 2.000000e+00 : f32
    %mul3A_120 = vector.broadcast %mul3A_119 : f32 to vector<2048x32xf32>
    %mul3A_121 = arith.mulf %mul3A_120, %get3A_118 : vector<2048x32xf32>
    %convert_element_type3A_122 = arith.truncf %mul3A_121 : vector<2048x32xf32> to vector<2048x32xbf16>
    %get3A_123 = arith.constant 0 : index
    %get3A_124 = arith.constant 6144 : index
    %get3A_125 = vector.load %arg4[%get3A_123, %get3A_124] : memref<1x8192xf32, #tpu.memory_space<vmem>>, vector<1x2048xf32>
    %dot_general3A_126 = arith.constant dense<0.000000e+00> : vector<512x2048xf32>
    %dot_general3A_127 = tpu.matmul %convert_element_type3A, %convert_element_type3A_122, %dot_general3A_126 {dimension_numbers = #tpu.dot_dimension_numbers<[1], [1], [0], [0], [0, 0, 1, 0], [], []>, transpose_lhs_hint = false} : vector<512x32xbf16>, vector<2048x32xbf16>, vector<512x2048xf32> -> vector<512x2048xf32>
    %add3A_128 = vector.broadcast %get3A_4 : vector<512x1xf32> to vector<512x2048xf32>
    %add3A_129 = vector.broadcast %get3A_125 : vector<1x2048xf32> to vector<512x2048xf32>
    %add3A_130 = arith.addf %add3A_128, %add3A_129 : vector<512x2048xf32>
    %sub3A_131 = arith.subf %add3A_130, %dot_general3A_127 : vector<512x2048xf32>
    %reduce_min3A_132 = arith.constant dense<0x7F800000> : vector<512xf32>
    %reduce_min3A_133 = vector.multi_reduction <minimumf>, %sub3A_131, %reduce_min3A_132 [1] : vector<512x2048xf32> to vector<512xf32>
    %broadcast_in_dim3A_134 = vector.shape_cast %reduce_min3A_133 : vector<512xf32> to vector<512x1xf32>
    %iota3A_135 = tpu.iota {dimensions = array<i32: 1>} : vector<512x2048xi32>
    %eq3A_136 = vector.broadcast %broadcast_in_dim3A_134 : vector<512x1xf32> to vector<512x2048xf32>
    %eq3A_137 = arith.cmpf oeq, %sub3A_131, %eq3A_136 : vector<512x2048xf32>
    %jit3A_138 = arith.constant 2147483647 : i32
    %broadcast_in_dim3A_139 = vector.broadcast %jit3A_138 : i32 to vector<512x2048xi32>
    %select_n3A_140 = arith.select %eq3A_137, %iota3A_135, %broadcast_in_dim3A_139 : vector<512x2048xi1>, vector<512x2048xi32>
    %reduce_min3A_141 = arith.constant dense<2147483647> : vector<512xi32>
    %reduce_min3A_142 = vector.multi_reduction <minsi>, %select_n3A_140, %reduce_min3A_141 [1] : vector<512x2048xi32> to vector<512xi32>
    %broadcast_in_dim3A_143 = vector.shape_cast %reduce_min3A_142 : vector<512xi32> to vector<512x1xi32>
    %add3A_144 = arith.constant 6144 : i32
    %add3A_145 = vector.broadcast %add3A_144 : i32 to vector<512x1xi32>
    %add3A_146 = arith.addi %broadcast_in_dim3A_143, %add3A_145 : vector<512x1xi32>
    %lt3A_147 = arith.cmpf olt, %convert_element_type3A_115, %broadcast_in_dim3A_134 : vector<512x1xf32>
    %eq3A_148 = arith.cmpf oeq, %convert_element_type3A_115, %broadcast_in_dim3A_134 : vector<512x1xf32>
    %lt3A_149 = arith.cmpi slt, %select_n3A_113, %add3A_146 : vector<512x1xi32>
    %and3A_150 = arith.andi %eq3A_148, %lt3A_149 : vector<512x1xi1>
    %or3A_151 = arith.ori %lt3A_147, %and3A_150 : vector<512x1xi1>
    %select_n3A_152 = arith.select %or3A_151, %select_n3A_113, %add3A_146 : vector<512x1xi1>, vector<512x1xi32>
    %squeeze3A = vector.shape_cast %select_n3A_152 : vector<512x1xi32> to vector<512xi32>
    %swap3A = arith.constant 0 : index
    %swap3A_153 = vector.load %arg5[%swap3A] : memref<512xi32, #tpu.memory_space<vmem>>, vector<512xi32>
    tpu.vector_store %arg5[%swap3A], %squeeze3A {strides = array<i32>} : memref<512xi32, #tpu.memory_space<vmem>>, vector<512xi32>,
    return
  }
  func.func @transform_0(%arg0: i32) -> (i32, i32) {
    %c0_i32 = arith.constant 0 : i32
    %c0_i32_0 = arith.constant 0 : i32
    return %arg0, %c0_i32 : i32, i32
  }
  func.func @transform_1(%arg0: i32) -> (i32, i32) {
    %c0_i32 = arith.constant 0 : i32
    %c0_i32_0 = arith.constant 0 : i32
    %c0_i32_1 = arith.constant 0 : i32
    return %c0_i32, %c0_i32_0 : i32, i32
  }
  func.func @transform_2(%arg0: i32) -> (i32, i32) {
    %c0_i32 = arith.constant 0 : i32
    %c0_i32_0 = arith.constant 0 : i32
    return %arg0, %c0_i32 : i32, i32
  }
  func.func @transform_3(%arg0: i32) -> (i32, i32) {
    %c0_i32 = arith.constant 0 : i32
    %c0_i32_0 = arith.constant 0 : i32
    %c0_i32_1 = arith.constant 0 : i32
    return %c0_i32, %c0_i32_0 : i32, i32
  }
  func.func @transform_4(%arg0: i32) -> i32 {
    %c0_i32 = arith.constant 0 : i32
    return %arg0 : i32
  }
}

module attributes {stable_mosaic.version = 14 : i64} {
  func.func @_final_body(%arg0: i32, %arg1: memref<8x32x1024xf32, #tpu.memory_space<vmem>>, %arg2: memref<8x1024x32xf32, #tpu.memory_space<vmem>>, %arg3: memref<2x8192xf32, #tpu.memory_space<vmem>>, %arg4: memref<8x32x1024xf32, #tpu.memory_space<vmem>>, %arg5: memref<1x1xf32, #tpu.memory_space<vmem>>, %arg6: memref<1x1xf32, #tpu.memory_space<vmem>>) attributes {dimension_semantics = [#tpu.dimension_semantics<arbitrary>], iteration_bounds = array<i64: 1>, scalar_prefetch = 0 : i64, scratch_operands = 0 : i64, tpu.core_type = #tpu.core_type<tc>, window_params = [{pipeline_mode = #tpu.pipeline_mode<synchronous>, transform_indices = @transform_0, window_bounds = array<i64: 8, 32, 1024>}, {pipeline_mode = #tpu.pipeline_mode<synchronous>, transform_indices = @transform_1, window_bounds = array<i64: 8, 1024, 32>}, {pipeline_mode = #tpu.pipeline_mode<synchronous>, transform_indices = @transform_2, window_bounds = array<i64: 2, 8192>}, {pipeline_mode = #tpu.pipeline_mode<synchronous>, transform_indices = @transform_3, window_bounds = array<i64: 8, 32, 1024>}, {pipeline_mode = #tpu.pipeline_mode<synchronous>, transform_indices = @transform_4, window_bounds = array<i64: 1, 1>}, {pipeline_mode = #tpu.pipeline_mode<synchronous>, transform_indices = @transform_5, window_bounds = array<i64: 1, 1>}]} {
    %get3A = arith.constant 0 : index
    %get3A_0 = arith.constant 0 : index
    %get3A_1 = arith.constant 0 : index
    %get3A_2 = vector.load %arg1[%get3A, %get3A_0, %get3A_1] : memref<8x32x1024xf32, #tpu.memory_space<vmem>>, vector<8x32x1024xf32>
    %get3A_3 = arith.constant 0 : index
    %get3A_4 = arith.constant 0 : index
    %get3A_5 = arith.constant 0 : index
    %get3A_6 = vector.load %arg2[%get3A_3, %get3A_4, %get3A_5] : memref<8x1024x32xf32, #tpu.memory_space<vmem>>, vector<8x1024x32xf32>
    %transpose3A = tpu.transpose %get3A_6, [0, 2, 1] : vector<8x1024x32xf32> -> vector<8x32x1024xf32>
    %sub3A = arith.subf %transpose3A, %get3A_2 : vector<8x32x1024xf32>
    %add3A = arith.addf %get3A_2, %sub3A : vector<8x32x1024xf32>
    %swap3A = arith.constant 0 : index
    %swap3A_7 = arith.constant 0 : index
    %swap3A_8 = arith.constant 0 : index
    %swap3A_9 = vector.load %arg4[%swap3A, %swap3A_7, %swap3A_8] : memref<8x32x1024xf32, #tpu.memory_space<vmem>>, vector<8x32x1024xf32>
    tpu.vector_store %arg4[%swap3A, %swap3A_7, %swap3A_8], %add3A {strides = array<i32>} : memref<8x32x1024xf32, #tpu.memory_space<vmem>>, vector<8x32x1024xf32>,
    %sub3A_10 = arith.subf %transpose3A, %get3A_2 : vector<8x32x1024xf32>
    %mul3A = arith.mulf %sub3A_10, %sub3A_10 : vector<8x32x1024xf32>
    %reduce_sum3A = vector.shape_cast %mul3A : vector<8x32x1024xf32> to vector<1x8x32x1024xf32>
    %reduce_sum3A_11 = arith.constant dense<0.000000e+00> : vector<1xf32>
    %reduce_sum3A_12 = vector.multi_reduction <add>, %reduce_sum3A, %reduce_sum3A_11 [1, 2, 3] : vector<1x8x32x1024xf32> to vector<1xf32>
    %reduce_sum3A_13 = vector.shape_cast %reduce_sum3A_12 : vector<1xf32> to vector<1x1x1x1xf32>
    %reduce_sum3A_14 = vector.extract %reduce_sum3A_13[0, 0, 0, 0] : f32 from vector<1x1x1x1xf32>
    %div3A = arith.constant 2.621440e+05 : f32
    %div3A_15 = arith.divf %reduce_sum3A_14, %div3A : f32
    %mul3A_16 = arith.constant 5.000000e-01 : f32
    %mul3A_17 = arith.mulf %mul3A_16, %div3A_15 : f32
    %add3A_18 = arith.addf %div3A_15, %mul3A_17 : f32
    %reshape3A = vector.broadcast %add3A_18 : f32 to vector<1x1xf32>
    %swap3A_19 = arith.constant 0 : index
    %swap3A_20 = arith.constant 0 : index
    %swap3A_21 = vector.load %arg5[%swap3A_19, %swap3A_20] : memref<1x1xf32, #tpu.memory_space<vmem>>, vector<1x1xf32>
    tpu.vector_store %arg5[%swap3A_19, %swap3A_20], %reshape3A {strides = array<i32>} : memref<1x1xf32, #tpu.memory_space<vmem>>, vector<1x1xf32>,
    %get3A_22 = arith.constant 0 : index
    %get3A_23 = arith.constant 0 : index
    %get3A_24 = vector.load %arg3[%get3A_22, %get3A_23] : memref<2x8192xf32, #tpu.memory_space<vmem>>, vector<1x8192xf32>
    %get3A_25 = vector.shape_cast %get3A_24 : vector<1x8192xf32> to vector<8192xf32>
    %get3A_26 = arith.constant 1 : index
    %get3A_27 = arith.constant 0 : index
    %get3A_28 = vector.load %arg3[%get3A_26, %get3A_27] : memref<2x8192xf32, #tpu.memory_space<vmem>>, vector<1x8192xf32>
    %get3A_29 = vector.shape_cast %get3A_28 : vector<1x8192xf32> to vector<8192xf32>
    %add3A_30 = arith.addf %get3A_25, %get3A_29 : vector<8192xf32>
    %mul3A_31 = arith.constant 1.22070313E-4 : f32
    %mul3A_32 = vector.broadcast %mul3A_31 : f32 to vector<8192xf32>
    %mul3A_33 = arith.mulf %add3A_30, %mul3A_32 : vector<8192xf32>
    %add3A_34 = arith.constant 1.000000e-10 : f32
    %add3A_35 = vector.broadcast %add3A_34 : f32 to vector<8192xf32>
    %add3A_36 = arith.addf %mul3A_33, %add3A_35 : vector<8192xf32>
    %log3A = math.log %add3A_36 : vector<8192xf32>
    %mul3A_37 = arith.mulf %mul3A_33, %log3A : vector<8192xf32>
    %reduce_sum3A_38 = vector.shape_cast %mul3A_37 : vector<8192xf32> to vector<1x8192xf32>
    %reduce_sum3A_39 = arith.constant dense<0.000000e+00> : vector<1xf32>
    %reduce_sum3A_40 = vector.multi_reduction <add>, %reduce_sum3A_38, %reduce_sum3A_39 [1] : vector<1x8192xf32> to vector<1xf32>
    %reduce_sum3A_41 = vector.shape_cast %reduce_sum3A_40 : vector<1xf32> to vector<1x1xf32>
    %reduce_sum3A_42 = vector.extract %reduce_sum3A_41[0, 0] : f32 from vector<1x1xf32>
    %neg3A = arith.constant 0.000000e+00 : f32
    %neg3A_43 = arith.subf %neg3A, %reduce_sum3A_42 : f32
    %exp3A = math.exp %neg3A_43 : f32
    %reshape3A_44 = vector.broadcast %exp3A : f32 to vector<1x1xf32>
    %swap3A_45 = arith.constant 0 : index
    %swap3A_46 = arith.constant 0 : index
    %swap3A_47 = vector.load %arg6[%swap3A_45, %swap3A_46] : memref<1x1xf32, #tpu.memory_space<vmem>>, vector<1x1xf32>
    tpu.vector_store %arg6[%swap3A_45, %swap3A_46], %reshape3A_44 {strides = array<i32>} : memref<1x1xf32, #tpu.memory_space<vmem>>, vector<1x1xf32>,
    return
  }
  func.func @transform_0(%arg0: i32) -> (i32, i32, i32) {
    %c0_i32 = arith.constant 0 : i32
    %c0_i32_0 = arith.constant 0 : i32
    %c0_i32_1 = arith.constant 0 : i32
    %c0_i32_2 = arith.constant 0 : i32
    return %c0_i32, %c0_i32_0, %c0_i32_1 : i32, i32, i32
  }
  func.func @transform_1(%arg0: i32) -> (i32, i32, i32) {
    %c0_i32 = arith.constant 0 : i32
    %c0_i32_0 = arith.constant 0 : i32
    %c0_i32_1 = arith.constant 0 : i32
    %c0_i32_2 = arith.constant 0 : i32
    return %c0_i32, %c0_i32_0, %c0_i32_1 : i32, i32, i32
  }
  func.func @transform_2(%arg0: i32) -> (i32, i32) {
    %c0_i32 = arith.constant 0 : i32
    %c0_i32_0 = arith.constant 0 : i32
    %c0_i32_1 = arith.constant 0 : i32
    return %c0_i32, %c0_i32_0 : i32, i32
  }
  func.func @transform_3(%arg0: i32) -> (i32, i32, i32) {
    %c0_i32 = arith.constant 0 : i32
    %c0_i32_0 = arith.constant 0 : i32
    %c0_i32_1 = arith.constant 0 : i32
    %c0_i32_2 = arith.constant 0 : i32
    return %c0_i32, %c0_i32_0, %c0_i32_1 : i32, i32, i32
  }
  func.func @transform_4(%arg0: i32) -> (i32, i32) {
    %c0_i32 = arith.constant 0 : i32
    %c0_i32_0 = arith.constant 0 : i32
    %c0_i32_1 = arith.constant 0 : i32
    return %c0_i32, %c0_i32_0 : i32, i32
  }
  func.func @transform_5(%arg0: i32) -> (i32, i32) {
    %c0_i32 = arith.constant 0 : i32
    %c0_i32_0 = arith.constant 0 : i32
    %c0_i32_1 = arith.constant 0 : i32
    return %c0_i32, %c0_i32_0 : i32, i32
  }
}

</mosaic_0001>

<sc_bundles>
// kernel: kernel.5.cloned.1.call-start
scs
__scs_entry_jumppad:
0x0: {  	(pc) =	sbr.rel $0x88, $3  }
0x1: {  	(tag) =	ssettag $0x0;
	lr =	simm.s32 $0x1  }
0x2: {  	[smem:$0x3F9F] =	sst lr;
	_ =	strace $0xD0000000  }
0x3: {  	_ = 	snop  }
0x4: {  	_ = 	snop  }
0x5: {  	_ = 	snop  }
0x6: {  	_ = 	snop  }
0x7: {  	_ = 	snop  }
__scs_overlays_trampoline_lowered:
0x8: {  	[smem:$0x3FAE] =	sst s0  }
0x9: {  	[smem:$0x3FAF] =	sst s1  }
0xa: {  	[smem:$0x3FB0] =	sst s2  }
0xb: {  	[smem:$0x3FB1] =	sst s3  }
0xc: {  	[smem:$0x3FB2] =	sst s4  }
0xd: {  	[smem:$0x3FB3] =	sst s5  }
0xe: {  	[smem:$0x3FB4] =	sst s6  }
0xf: {  	[smem:$0x3FB5] =	sst s7  }
0x10: {  	[smem:$0x3FB6] =	sst s8  }
0x11: {  	[smem:$0x3FB7] =	sst s9;
	s0 =	simm.s32 @!p0 $0x0  }
0x12: {  	s1 =	sld [smem:$0x3F9D];
	s0 =	simm.s32 @p0 $0x1  }
0x13: {  	[smem:$0x3FB8] =	sst s0;
	s0 =	simm.s32 @!p1 $0x0  }
0x14: {  	s2 =	sld [smem:$0x3F9C];
	s0 =	simm.s32 @p1 $0x1  }
0x15: {  	[smem:$0x3FB9] =	sst s0;
	s0 =	simm.s32 @!p2 $0x0  }
0x16: {  	s3 =	sld [smem:$0x3FDB];
	s0 =	simm.s32 @p2 $0x1  }
0x17: {  	s4 =	simm.s32 $0x1BF5;
	[smem:$0x3FBB] =	sst s0  }
0x18: {  	s0 =	sld [smem:$0x3F9E];
	_ =	swait.ge [sflag:s4], $0x0  }
0x19: {  	s7 =	sld [smem:$0x3F9F]  }
0x1a: {  	s8 =	sadd.s32 $0xFFFFE003, lr  }
0x1b: {  	s9 =	sadd.s32 $0xFFFFFEF7, lr;
	s5 =	simm.s32 $0xFFFFFFFF;
	p2 =	slt.u32 s8, $0xFFFFF086  }
0x1c: {  	p1 =	slt.u32 s9, $0xF7A;
	s5 =	simm.s32 @!p2 $0x0  }
0x1d: {  	s5 =	simm.s32 @p1 $0x1;
	p0 =	seq.s32 s7, s2  }
0x1e: {  	s7 =	smul.u32 @!p0 $0xF7A, s2;
	p2 =	seq.s32 @!p0 s5, $0x0  }
0x1f: {  	s9 =	smul.u32 $0xF7A, s1;
	s8 =	simm.s32 @!p0 $0x1BF5;
	p2 =	por !p2, p0  }
0x20: {  	[sflag:s8] =	ssyncset.s32 @!p0 $0xFFFFF086;
	s6 =	sadd.s32 @!p0 s3, s7;
	s7 =	simm.s32 @!p0 $0x108  }
0x21: {  	s3 =	sadd.s32 s3, s9;
	s6 =	sadd.s32 @!p0 $0x88, s6;
	s7 =	simm.s32 @p2 $0x1082  }
0x22: {  	[simem:s7], [sflag:s8] =	dma.local @!p0 [hbm:s6], $0xF7A  }
0x23: {  	s9 =	sor.u32 $0xD0000000, s2;
	s6 =	simm.s32 $0x108;
	_ =	swait.ge @!p0 [sflag:s8], $0x0  }
0x24: {  	s3 =	sadd.s32 $0x88, s3;
	s6 =	simm.s32 @!p1 $0x1082;
	[sflag:s4] =	ssyncset.s32 $0xFFFFF086  }
0x25: {  	[simem:s6], [sflag:s4] =	dma.local [hbm:s3], $0xF7A  }
0x26: {  	[smem:$0x3F9F] =	sst s1;
	(tag) =	ssettag s2;
	_ =	strace s9  }
0x27: {  	s1 =	sld [smem:$0x3FAF]  }
0x28: {  	s2 =	sld [smem:$0x3FB0]  }
0x29: {  	s4 =	sld [smem:$0x3FB2]  }
0x2a: {  	p0 =	seq.s32 s5, $0x0;
	s5 =	sld [smem:$0x3FB3]  }
0x2b: {  	s6 =	sld [smem:$0x3FB4]  }
0x2c: {  	s7 =	sld [smem:$0x3FB5]  }
0x2d: {  	s3 =	simm.s32 $0x108;
	s8 =	sld [smem:$0x3FB6]  }
0x2e: {  	s3 =	simm.s32 @!p0 $0x1082;
	s9 =	sld [smem:$0x3FB7]  }
0x2f: {  	lr =	sadd.s32 s0, s3;
	s0 =	sld [smem:$0x3FAE]  }
0x30: {  	s3 =	sld [smem:$0x3FB1]  }
0x31: {  	[smem:$0x3FBA] =	sst s10  }
0x32: {  	s10 =	sld [smem:$0x3FB8];
	_ =	sdelay $0x3  }
0x33: {  	p0 =	seq.s32 s10, $0x1;
	s10 =	sld [smem:$0x3FBA];
	_ =	sdelay $0x3  }
0x34: {  	[smem:$0x3FBA] =	sst s10  }
0x35: {  	s10 =	sld [smem:$0x3FB9];
	_ =	sdelay $0x3  }
0x36: {  	p1 =	seq.s32 s10, $0x1;
	s10 =	sld [smem:$0x3FBA];
	_ =	sdelay $0x3  }
0x37: {  	[smem:$0x3FBA] =	sst s10  }
0x38: {  	s10 =	sld [smem:$0x3FBB]  }
0x39: {  	_ = 	snop;
	(pc) =	sbr.ind lr, $3  }
0x3a: {  	_ = 	snop  }
0x3b: {  	_ = 	snop  }
0x3c: {  	p2 =	seq.s32 s10, $0x1;
	s10 =	sld [smem:$0x3FBA]  }
0x3d: {  	_ =	shalt  }
0x3e: {  	_ =	shalt  }
0x3f: {  	_ =	shalt  }
0x40: {  	_ =	shalt  }
0x41: {  	_ =	shalt  }
0x42: {  	_ =	shalt  }
0x43: {  	_ =	shalt  }
0x44: {  	_ =	shalt  }
0x45: {  	_ =	shalt  }
0x46: {  	_ =	shalt  }
0x47: {  	_ =	shalt  }
0x48: {  	_ =	shalt  }
0x49: {  	_ =	shalt  }
0x4a: {  	_ =	shalt  }
0x4b: {  	_ =	shalt  }
0x4c: {  	_ =	shalt  }
0x4d: {  	_ =	shalt  }
0x4e: {  	_ =	shalt  }
0x4f: {  	_ =	shalt  }
0x50: {  	_ =	shalt  }
0x51: {  	_ =	shalt  }
0x52: {  	_ =	shalt  }
0x53: {  	_ =	shalt  }
0x54: {  	_ =	shalt  }
0x55: {  	_ =	shalt  }
0x56: {  	_ =	shalt  }
0x57: {  	_ =	shalt  }
0x58: {  	_ =	shalt  }
0x59: {  	_ =	shalt  }
0x5a: {  	_ =	shalt  }
0x5b: {  	_ =	shalt  }
0x5c: {  	_ =	shalt  }
0x5d: {  	_ =	shalt  }
0x5e: {  	_ =	shalt  }
0x5f: {  	_ =	shalt  }
0x60: {  	_ =	shalt  }
0x61: {  	_ =	shalt  }
0x62: {  	_ =	shalt  }
0x63: {  	_ =	shalt  }
0x64: {  	_ =	shalt  }
0x65: {  	_ =	shalt  }
0x66: {  	_ =	shalt  }
0x67: {  	_ =	shalt  }
0x68: {  	_ =	shalt  }
0x69: {  	_ =	shalt  }
0x6a: {  	_ =	shalt  }
0x6b: {  	_ =	shalt  }
0x6c: {  	_ =	shalt  }
0x6d: {  	_ =	shalt  }
0x6e: {  	_ =	shalt  }
0x6f: {  	_ =	shalt  }
0x70: {  	_ =	shalt  }
0x71: {  	_ =	shalt  }
0x72: {  	_ =	shalt  }
0x73: {  	_ =	shalt  }
0x74: {  	_ =	shalt  }
0x75: {  	_ =	shalt  }
0x76: {  	_ =	shalt  }
0x77: {  	_ =	shalt  }
0x78: {  	_ =	shalt  }
0x79: {  	_ =	shalt  }
0x7a: {  	_ =	shalt  }
0x7b: {  	_ =	shalt  }
0x7c: {  	_ =	shalt  }
0x7d: {  	_ =	shalt  }
0x7e: {  	_ =	shalt  }
0x7f: {  	_ =	shalt  }
0x80: {  	_ =	shalt  }
0x81: {  	_ =	shalt  }
0x82: {  	_ =	shalt  }
0x83: {  	_ =	shalt  }
0x84: {  	_ =	shalt  }
0x85: {  	_ =	shalt  }
0x86: {  	_ =	shalt  }
0x87: {  	_ =	shalt  }
.Lfunc_end0:
.L_simem_size_0:
called_computation_lowered:
.L_overlay_start_0:
0x88: {  	s2 =	sld [smem:$0x3FD9]  }
0x89: {  	s3 =	sld [smem:$0x3FFE];
	_ =	sdelay $0x1  }
0x8a: {  	s1 =	srdreg.scid  }
0x8b: {  	s0 =	sand.u32 $0x1, s1  }
0x8c: {  	s14 =	sshll.u32 s0, $0xA;
	s2 =	sadd.s32 s3, s2  }
0x8d: {  	s2 =	sadd.s32 s2, s14  }
0x8e: {  	[smem:$0x3FC6] =	sst s2  }
0x8f: {  	_ = 	snop  }
0x90: {  	s2 =	sld [smem:$0x3FD0];
	_ =	sdelay $0x2  }
0x91: {  	s15 =	simm.s32 $0xA;
	s4 =	simm.s32 $0x10  }
0x92: {  	[smem:s4], [sflag:s15] =	dma.local [hbm:s2], $0x1  }
0x93: {  	_ =	swait.eq [sflag:s15], $0x1  }
0x94: {  	[sflag:s15] =	ssyncset.done $0x0  }
0x95: {  	[sflag:s15] =	ssyncadd.s32 $0xFFFFFFFF  }
0x96: {  	s16 =	sld [smem:$0x10];
	(tm) =	ssettm $0x1  }
0x97: {  	s17 =	sld [smem:$0x3FFB];
	_ =	sdelay $0x3  }
0x98: {  	_ =	strace s17  }
0x99: {  	s3 =	sld [smem:$0x3FFC];
	_ =	sdelay $0x3  }
0x9a: {  	_ =	strace s3  }
0x9b: {  	s3 =	sld [smem:$0x3FFD];
	_ =	sdelay $0x3  }
0x9c: {  	_ =	strace s3  }
0x9d: {  	_ =	strace $0x8FFFFFFF  }
0x9e: {  	s18 =	sld [smem:$0x3FDB];
	_ =	sdelay $0x1  }
0x9f: {  	s19 =	simm.s32 $_scs_section_size  }
0xa0: {  	s5 =	simm.s32 $_size__tile_overlayer_lowered;
	s6 =	simm.s32 $_tile_overlayer_lowered  }
0xa1: {  	s22 =	simm.s32 $0x1BFF;
	s21 =	sshll.u32 s6, $0x1;
	s3 =	sadd.s32 s19, s18  }
0xa2: {  	s7 =	simm.s32 $0x0;
	s20 =	sshll.u32 s5, $0x1;
	s5 =	sadd.s32 s21, s3  }
0xa3: {  	[timem:s7], [sflag:s22] =	dma.local [hbm:s5], s20  }
0xa4: {  	_ =	swait.ge [sflag:s22], s20  }
0xa5: {  	s4 =	ssub.s32 $0x0, s20;
	[sflag:s22] =	ssyncset.done $0x0  }
0xa6: {  	[sflag:s22] =	ssyncadd.s32 s4;
	_ =	sdelay $0x1  }
0xa7: {  	s23 =	simm.s32 $0x1B8B  }
0xa8: {  	_ =	swait.ge [sflag:s23], $0x1  }
0xa9: {  	[sflag:s23] =	ssyncset.done $0x0  }
0xaa: {  	s25 =	simm.s32 $0x1B8E;
	s24 =	sld [smem:$0x3FFE];
	[sflag:s23] =	ssyncadd.s32 $0xFFFFFFFF  }
0xab: {  	s26 =	simm.s32 $execute0_lowered;
	[smem:$0x3FD2] =	sst s25  }
0xac: {  	s5 =	sshll.u32 s26, $0x1;
	_ =	strace $0x80000046;
	[dreg:$0x1] =	wrdreg $0xFFFFFFFF  }
0xad: {  	s28 =	simm.s32 $_size_execute0_lowered;
	s3 =	sadd.s32 s3, s5;
	[dreg:$0x0] =	wrdreg $0x0  }
0xae: {  	s5 =	sshll.u32 s28, $0x1;
	[dreg:$0x2] =	wrdreg s3  }
0xaf: {  	[dreg:$0x3] =	wrdreg s5  }
0xb0: {  	[dreg:$0x4] =	wrdreg $0xC0  }
0xb1: {  	_ =	task [dreg:s7], $0x5FFFF  }
0xb2: {  	[dreg:$0x1] =	wrdreg $0xFFFFFFFF  }
0xb3: {  	[dreg:$0x0] =	wrdreg $0x60  }
0xb4: {  	[dreg:$0x2] =	wrdreg s16  }
0xb5: {  	[dreg:$0x3] =	wrdreg s24  }
0xb6: {  	[dreg:$0x4] =	wrdreg $0x22000  }
0xb7: {  	[dreg:$0x5] =	wrdreg $0x9  }
0xb8: {  	_ =	task.clear_ibuf [dreg:s7], $0x6FFFF;
	_ =	strace $0x90000046  }
0xb9: {  	s29 =	simm.s32 $0x9;
	_ =	strace $0x80000048  }
0xba: {  	_ =	swait.ge [sflag:s29], $0x1  }
0xbb: {  	[sflag:s29] =	ssyncadd.s32 $0xFFFFFFFF  }
0xbc: {  	_ =	strace $0x90000048  }
0xbd: {  	_ =	sfence  }
0xbe: {  	s30 =	sld [smem:$0x0];
	_ =	sdelay $0x2  }
0xbf: {  	s31 =	sshll.u32 s1, $0xD;
	s1 =	sshrl.u32 s1, $0x2  }
0xc0: {  	s3 =	sand.u32 $0x4000, s31;
	s1 =	sadd.s32 s1, s30  }
0xc1: {  	s0 =	sor.u32 s3, s0;
	s1 =	sshll.u32 s1, $0x11  }
0xc2: {  	s0 =	sor.u32 s1, s0  }
0xc3: {  	s0 =	sadd.s32 $0x8F2B, s0  }
0xc4: {  	[sflag:s0] =	ssyncadd.remote.s32 $0x1  }
0xc5: {  	_ =	sfence.sel $0xFFFF  }
0xc6: {  	[dreg:$0x0] =	wrdreg $0xFFFFFFFF;
	(pc) =	sbr.abs _section_cstart, $3  }
0xc7: {  	[dreg:$0x1] =	wrdreg $0xFFFFFFFF  }
0xc8: {  	_ =	task.clear_ibuf [dreg:s7], $0x2FFFF;
	_ =	strace $0x9FFFFFFF  }
0xc9: {  	(tm) =	ssettm $0x7FFFFFFF  }
tec
execute0_lowered:
.L_overlay_start_1:
0x0: {  	(tag) =	ssettag $0x1  }
0x1: {  	s0 =	srdreg.scid  }
0x2: {  	s9 =	stileid.u32;
	s22 =	sand.u32 $0x1, s0  }
0x3: {  	s1 =	rddreg [dreg:$0x0];
	s30 =	sshll.u32 s9, $0x9;
	s3 =	sshll.u32 s22, $0x8  }
0x4: {  	s21 =	rddreg [dreg:$0x1];
	s8 =	sor.u32 s3, s30  }
0x5: {  	s2 =	rddreg [dreg:$0x2];
	s3 =	simm.s32 $0x0;
	s4 =	sshrl.u32 s8, $0x3  }
0x6: {  	s5 =	simm.s32 $0x2;
	[smem:$0x7FF] =	sst s3;
	s4 =	sadd.s32 s4, s21  }
0x7: {  	s0 =	rddreg [dreg:$0x3];
	_ =	strace $0x80000047;
	s4 =	sadd.s32 $0x800, s4  }
0x8: {  	[tilespmem:s3], [sflag:$0x2] =	stream.linear.gather [hbm4b:s4+s3], $0x100, $0x38;
	[tilespmem:$0x2400] =	vst v63  }
0x9: {  	_ =	swait.ge [sflag:s5], $0x100  }
0xa: {  	[sflag:s5] =	ssyncset.done $0x0  }
0xb: {  	s6 =	simm.s32 $0x100;
	s7 =	simm.s32 $0x1;
	[sflag:s5] =	ssyncadd.s32 $0xFFFFFF00  }
0xc: {  	[tilespmem:s6], [sflag:$0x1] =	stream.indirect.gather [hbm4b:s1+s6], $0x20, s3, s6, $0xb8;
	[tilespmem:$0x2400] =	vst v63  }
0xd: {  	s8 =	sshll.u32 s8, $0x2;
	_ =	swait.ge [sflag:s7], $0x2000  }
0xe: {  	s8 =	sadd.s32 s8, s21;
	[sflag:s7] =	ssyncset.done $0x0  }
0xf: {  	s8 =	sadd.s32 $0x1200, s8;
	[sflag:s7] =	ssyncadd.s32 $0xFFFFE000  }
0x10: {  	[hbm4b:s8+s3] =	stream.linear.scatter [tilespmem:s6], [sflag:$0x2], $0x2000, $0x38;
	[tilespmem:$0x2400] =	vst v63  }
0x11: {  	p0 =	sne.s32 s9, $0x0;
	_ =	swait.ge [sflag:s5], $0x2000  }
0x12: {  	s9 =	sadd.s32 $0x1000, s21;
	s10 =	simm.s32 @p0 $0x2;
	[sflag:s5] =	ssyncset.done $0x0  }
0x13: {  	s11 =	simm.s32 @p0 $0x0;
	s12 =	simm.s32 @p0 $0x2100;
	[sflag:s5] =	ssyncadd.s32 $0xFFFFE000  }
0x14: {  	[tilespmem:s12], [sflag:$0x2] =	stream.linear.gather @p0 [hbm4b:s9+s11], $0x100, $0x38;
	[tilespmem:$0x2400] =	vst v63  }
0x15: {  	_ =	swait.ge @p0 [sflag:s10], $0x100  }
0x16: {  	[sflag:s10] =	ssyncset.done @p0 $0x0  }
0x17: {  	[sflag:s10] =	ssyncadd.s32 @p0 $0xFFFFFF00  }
0x18: {  	s13 =	simm.s32 @p0 $0x100;
	[bflag:$0x0] =	sbarrier.arrive @p0 $0xFFFF  }
0x19: {  	[spmem:s2] =	stream.indirect.scatter.add.f32 @p0 [tilespmem:s12], [sflag:$0x2], $0x1, s11, s13, $0xb8;
	[tilespmem:$0x2400] =	vst v63  }
0x1a: {  	_ =	swait.ge @p0 [sflag:s10], $0x100  }
0x1b: {  	[sflag:s10] =	ssyncset.done @p0 $0x0  }
0x1c: {  	s14 =	sadd.s32 $0xC00, s21;
	s16 =	sshrl.u32 @!p0 s2, $0x3;
	[sflag:s10] =	ssyncadd.s32 @p0 $0xFFFFFF00  }
0x1d: {  	s17 =	simm.s32 @!p0 $0x1C02;
	s15 =	simm.s32 @!p0 $0x2;
	[bflag:$0x0] =	sbarrier.arrive @p0 $0xFFFF  }
0x1e: {  	[spmem:s16], [sflag:s17] =	dma.local @!p0 [hbm:s14], $0x400  }
0x1f: {  	_ =	swait.ge @!p0 [sflag:s15], $0x400  }
0x20: {  	[sflag:s15] =	ssyncset.done @!p0 $0x0  }
0x21: {  	s18 =	simm.s32 @!p0 $0x0;
	s19 =	simm.s32 @!p0 $0x2100;
	[sflag:s15] =	ssyncadd.s32 @!p0 $0xFFFFFC00  }
0x22: {  	[tilespmem:s19], [sflag:$0x2] =	stream.linear.gather @!p0 [hbm4b:s9+s18], $0x100, $0x38;
	[tilespmem:$0x2400] =	vst v63  }
0x23: {  	s23 =	ssub.s32 $0x2, s22;
	_ =	swait.ge @!p0 [sflag:s15], $0x100  }
0x24: {  	s24 =	sshrl.u32 s23, $0x1;
	[sflag:s15] =	ssyncset.done @!p0 $0x0  }
0x25: {  	s20 =	simm.s32 @!p0 $0x100;
	s23 =	ssub.s32 s23, s24;
	[sflag:s15] =	ssyncadd.s32 @!p0 $0xFFFFFF00  }
0x26: {  	s22 =	sshll.u32 s22, $0xA;
	s31 =	smax.u32 s23, $0x1;
	[bflag:$0x0] =	sbarrier.arrive @!p0 $0xFFFF  }
0x27: {  	[spmem:s2] =	stream.indirect.scatter.add.f32 @!p0 [tilespmem:s19], [sflag:$0x2], $0x1, s18, s20, $0xb8;
	[tilespmem:$0x2400] =	vst v63  }
0x28: {  	s21 =	sadd.s32 s22, s21;
	s22 =	sadd.s32 $0xFFFFFFFF, s31;
	_ =	swait.ge @!p0 [sflag:s15], $0x100  }
0x29: {  	p1 =	sne.s32 s22, $0x0;
	[sflag:s15] =	ssyncset.done @!p0 $0x0  }
.Ltmp0:
0x2a: {  	[sflag:s15] =	ssyncadd.s32 @!p0 $0xFFFFFF00;
	(pc) =	sbr.rel @!p1 .LBB2_2-.Ltmp0, $4  }
0x2b: {  	s21 =	sadd.s32 $0x9200, s21;
	[bflag:$0x0] =	sbarrier.arrive @!p0 $0xFFFF  }
0x2c: {  	[hbm:s21], [sflag:s17] =	dma.local @!p0 [spmem:s16], $0x400  }
0x2d: {  	_ =	swait.ge @!p0 [sflag:s15], $0x400  }
0x2e: {  	[sflag:s15] =	ssyncset.done @!p0 $0x0  }
.LBB2_1:
0x2f: {  	s22 =	sadd.s32 $0xFFFFFFFF, s22;
	[sflag:s15] =	ssyncadd.s32 @!p0 $0xFFFFFC00  }
0x30: {  	[tilespmem:s3], [sflag:$0x2] =	stream.linear.gather [hbm4b:s4+s3], $0x100, $0x38;
	[tilespmem:$0x2400] =	vst v63  }
0x31: {  	p1 =	sne.s32 s22, $0x0;
	_ =	swait.ge [sflag:s5], $0x100  }
0x32: {  	[sflag:s5] =	ssyncset.done $0x0  }
0x33: {  	[sflag:s5] =	ssyncadd.s32 $0xFFFFFF00  }
0x34: {  	[tilespmem:s6], [sflag:$0x1] =	stream.indirect.gather [hbm4b:s1+s6], $0x20, s3, s6, $0xb8;
	[tilespmem:$0x2400] =	vst v63  }
0x35: {  	_ =	swait.ge [sflag:s7], $0x2000  }
0x36: {  	[sflag:s7] =	ssyncset.done $0x0  }
0x37: {  	[sflag:s7] =	ssyncadd.s32 $0xFFFFE000  }
0x38: {  	[hbm4b:s8+s3] =	stream.linear.scatter [tilespmem:s6], [sflag:$0x2], $0x2000, $0x38;
	[tilespmem:$0x2400] =	vst v63  }
0x39: {  	_ =	swait.ge [sflag:s5], $0x2000  }
0x3a: {  	[sflag:s5] =	ssyncset.done $0x0  }
0x3b: {  	[sflag:s5] =	ssyncadd.s32 $0xFFFFE000  }
0x3c: {  	[tilespmem:s12], [sflag:$0x2] =	stream.linear.gather @p0 [hbm4b:s9+s11], $0x100, $0x38;
	[tilespmem:$0x2400] =	vst v63  }
0x3d: {  	_ =	swait.ge @p0 [sflag:s10], $0x100  }
0x3e: {  	[sflag:s10] =	ssyncset.done @p0 $0x0  }
0x3f: {  	[sflag:s10] =	ssyncadd.s32 @p0 $0xFFFFFF00  }
0x40: {  	[bflag:$0x0] =	sbarrier.arrive @p0 $0xFFFF  }
0x41: {  	[spmem:s2] =	stream.indirect.scatter.add.f32 @p0 [tilespmem:s12], [sflag:$0x2], $0x1, s11, s13, $0xb8;
	[tilespmem:$0x2400] =	vst v63  }
0x42: {  	_ =	swait.ge @p0 [sflag:s10], $0x100  }
0x43: {  	[sflag:s10] =	ssyncset.done @p0 $0x0  }
0x44: {  	[sflag:s10] =	ssyncadd.s32 @p0 $0xFFFFFF00  }
0x45: {  	[bflag:$0x0] =	sbarrier.arrive @p0 $0xFFFF  }
0x46: {  	[spmem:s16], [sflag:s17] =	dma.local @!p0 [hbm:s14], $0x400  }
0x47: {  	_ =	swait.ge @!p0 [sflag:s15], $0x400  }
0x48: {  	[sflag:s15] =	ssyncset.done @!p0 $0x0  }
0x49: {  	[sflag:s15] =	ssyncadd.s32 @!p0 $0xFFFFFC00  }
0x4a: {  	[tilespmem:s19], [sflag:$0x2] =	stream.linear.gather @!p0 [hbm4b:s9+s18], $0x100, $0x38;
	[tilespmem:$0x2400] =	vst v63  }
0x4b: {  	_ =	swait.ge @!p0 [sflag:s15], $0x100  }
0x4c: {  	[sflag:s15] =	ssyncset.done @!p0 $0x0  }
0x4d: {  	[sflag:s15] =	ssyncadd.s32 @!p0 $0xFFFFFF00  }
0x4e: {  	[bflag:$0x0] =	sbarrier.arrive @!p0 $0xFFFF  }
0x4f: {  	[spmem:s2] =	stream.indirect.scatter.add.f32 @!p0 [tilespmem:s19], [sflag:$0x2], $0x1, s18, s20, $0xb8;
	[tilespmem:$0x2400] =	vst v63  }
0x50: {  	_ =	swait.ge @!p0 [sflag:s15], $0x100  }
0x51: {  	[sflag:s15] =	ssyncset.done @!p0 $0x0  }
.Ltmp1:
0x52: {  	[sflag:s15] =	ssyncadd.s32 @!p0 $0xFFFFFF00;
	(pc) =	sbr.rel @p1 .LBB2_1-.Ltmp1, $4  }
0x53: {  	[bflag:$0x0] =	sbarrier.arrive @!p0 $0xFFFF  }
0x54: {  	[hbm:s21], [sflag:s17] =	dma.local @!p0 [spmem:s16], $0x400  }
0x55: {  	_ =	swait.ge @!p0 [sflag:s15], $0x400  }
0x56: {  	[sflag:s15] =	ssyncset.done @!p0 $0x0  }
.LBB2_2:
0x57: {  	[sflag:s15] =	ssyncadd.s32 @!p0 $0xFFFFFC00  }
0x58: {  	_ =	sfence.sel $0x180000  }
0x59: {  	[bflag:$0x0] =	sbarrier.arrive $0xFFFF  }
0x5a: {  	_ =	strace $0x90000047  }
0x5b: {  	s0 =	sadd.s32 @!p0 $0x100000, s0;
	[bflag:$0x2] =	sbarrier.arrive $0xFFFF  }
0x5c: {  	[sflag:s0] =	ssyncadd.tile.s32 @!p0 $0x1;
	_ =	shalt  }
.Lfunc_end2:
_tile_overlayer_lowered:
.L_overlay_start_2:
0x5d: {  	(tag) =	ssettag $0x2  }
0x5e: {  	s0 =	rddreg [dreg:$0x0];
	s2 =	stileid.u32  }
0x5f: {  	s1 =	rddreg [dreg:$0x1];
	p0 =	sne.s32 s2, $0x0  }
0x60: {  	s3 =	rddreg [dreg:$0x2];
	[bflag:$0x3] =	sbarrier.arrive $0xFFFF;
	s2 =	simm.s32 @!p0 $0x1C02  }
0x61: {  	[timem:s3], [sflag:s2] =	dma.local @!p0 [hbm:s0], s1  }
0x62: {  	s0 =	simm.s32 @!p0 $0x2  }
0x63: {  	_ =	swait.ge @!p0 [sflag:s0], s1  }
0x64: {  	s1 =	ssub.s32 @!p0 $0x0, s1;
	[sflag:s0] =	ssyncset.done @!p0 $0x0  }
0x65: {  	[sflag:s0] =	ssyncadd.s32 @!p0 s1  }
0x66: {  	[bflag:$0x3] =	sbarrier.arrive $0xFFFF  }
0x67: {  	_ =	shalt  }

</sc_bundles>
